<compile_context>
chip_gen: v7x
topology: tpu7x:2x2x1
jax: 0.10.2.dev20260603
libtpu: 0.0.44.dev20260713+nightly
codegen_flags: <defaults>
</compile_context>

<pallas_src>
import jax
import jax.numpy as jnp
from jax import lax
from jax.experimental import pallas as pl
from jax.experimental.pallas import tpu as pltpu
from jax.experimental.pallas import tpu_sc as plsc

NUM_CLASSES = 1000
B = 1024
S = 50
C_CHUNK = 40
NCPS = NUM_CLASSES // C_CHUNK
NCHUNK = S * NCPS
BUF = C_CHUNK * B
NW = 32
MAX_T = (NCHUNK + NW - 1) // NW
NBUF = 2


def _sc_body(xflat_hbm, out_hbm, xs0, xs1, buf0, buf1, sem0, sem1):
    wid = lax.axis_index("s") * 2 + lax.axis_index("c")
    lanes = lax.iota(jnp.int32, 16)
    ones = jnp.ones((16,), jnp.int32)
    zeros = jnp.zeros((16,), jnp.int32)
    bufs = (buf0, buf1)
    xss = (xs0, xs1)
    sems = (sem0, sem1)

    def zero_init(k, _):
        buf0[pl.ds(k * 16, 16)] = zeros
        buf1[pl.ds(k * 16, 16)] = zeros
        return 0

    lax.fori_loop(0, BUF // 16, zero_init, 0)

    def scatter_chunk(buf, xs, c0, val16):
        def scatter(g, v):
            vals = xs[pl.ds(g * 16, 16)]
            mask = (vals >= c0) & (vals < c0 + C_CHUNK)
            c_l = vals - c0
            pos = (
                jnp.left_shift(jnp.right_shift(c_l, 3), 13)
                + jnp.left_shift(jnp.bitwise_and(c_l, 7), 7)
                + ((g >> 3) << 10) + ((g & 7) << 4)
                + lanes
            )
            plsc.store_scatter(buf, [pos], v, mask=mask)
            return v

        lax.fori_loop(0, B // 16, scatter, val16)

    def step(t, _):
        for b in range(NBUF):
            tb = t * NBUF + b
            i = wid + tb * NW
            ip = i - NBUF * NW

            @pl.when((ip >= 0) & (ip < NCHUNK))
            def _():
                pltpu.make_async_copy(
                    bufs[b], out_hbm.at[pl.ds(ip * BUF, BUF)], sems[b]
                ).wait()
                scatter_chunk(bufs[b], xss[b], (ip % NCPS) * C_CHUNK, zeros)

            @pl.when(i < NCHUNK)
            def _():
                s = i // NCPS
                c0 = (i % NCPS) * C_CHUNK
                pltpu.sync_copy(xflat_hbm.at[pl.ds(s * B, B)], xss[b])
                scatter_chunk(bufs[b], xss[b], c0, ones)
                pltpu.async_copy(
                    bufs[b], out_hbm.at[pl.ds(i * BUF, BUF)], sems[b]
                )

        return 0

    lax.fori_loop(0, MAX_T // NBUF + 2, step, 0)


def kernel(x):
    xflat = x.T.reshape(S * B)
    out = pl.kernel(
        _sc_body,
        out_type=jax.ShapeDtypeStruct((S * NUM_CLASSES * B,), jnp.int32),
        mesh=plsc.VectorSubcoreMesh(core_axis_name="c", subcore_axis_name="s"),
        compiler_params=pltpu.CompilerParams(needs_layout_passes=False),
        scratch_types=[
            pltpu.VMEM((B,), jnp.int32),
            pltpu.VMEM((B,), jnp.int32),
            pltpu.VMEM((BUF,), jnp.int32),
            pltpu.VMEM((BUF,), jnp.int32),
            pltpu.SemaphoreType.DMA,
            pltpu.SemaphoreType.DMA,
        ],
    )(xflat)
    out5 = out.reshape(S, NUM_CLASSES // 8, B // 128, 8, 128)
    return jnp.transpose(out5, (2, 4, 0, 1, 3)).reshape(B, S, NUM_CLASSES)

# --- scband reference (transcript-rebuilt; emitter-appended) ---
"""Pipeline reference for scband-one-hot-encoding-13280038880111 (READ-ONLY COPY).

The authoritative reference and input builder live on the scoring server;
editing this copy changes nothing except your own understanding.
"""

import jax, jax.numpy as jnp
import numpy as np

NUM_CLASSES = 1000

def setup_inputs(seed: int = 0) -> dict:
    key = jax.random.key(seed)
    x = jax.random.randint(key, (1024, 50), 0, NUM_CLASSES, dtype=jnp.int32)
    return {"x": x}

def reference(x):
    # F.one_hot(x, num_classes) -> int64 tensor of shape (B, S, num_classes).
    # JAX analogue (int dtype to match torch semantics; int32 since x64 disabled).
    emb = jax.nn.one_hot(x, NUM_CLASSES, dtype=jnp.int32)
    # output_fmt is None -> no permute
    return emb

if __name__ == "__main__":
    import jax
    _d = setup_inputs()
    print(jax.jit(kernel)(*tuple(_d.values())))

</pallas_src>

<mosaic_0001>
#map = affine_map<(d0, d1) -> (0)>
module attributes {stable_mosaic.version = 14 : i64} {
  func.func @_sc_body(%arg0: i32, %arg1: i32, %arg2: memref<51200xi32, #tpu.memory_space<hbm>>, %arg3: memref<51200000xi32, #tpu.memory_space<hbm>>, %arg4: memref<1024xi32, #tpu.memory_space<vmem>>, %arg5: memref<1024xi32, #tpu.memory_space<vmem>>, %arg6: memref<40960xi32, #tpu.memory_space<vmem>>, %arg7: memref<40960xi32, #tpu.memory_space<vmem>>, %arg8: memref<!tpu.dma_semaphore, #tpu.memory_space<semaphore_mem>>, %arg9: memref<!tpu.dma_semaphore, #tpu.memory_space<semaphore_mem>>) attributes {dimension_semantics = [#tpu.dimension_semantics<core_parallel>, #tpu.dimension_semantics<subcore_parallel>], iteration_bounds = array<i64: 2, 16>, scalar_prefetch = 0 : i64, scratch_operands = 6 : i64, tpu.core_type = #tpu.core_type<sc_vector_subcore>, window_params = [{transform_indices = #map}, {transform_indices = #map}]} {
    %mul3A = arith.constant 2 : i32
    %mul3A_0 = arith.muli %arg1, %mul3A : i32
    %add3A = arith.addi %mul3A_0, %arg0 : i32
    %iota3A = tpu.iota {dimensions = array<i32: 0>} : vector<16xi32>
    %broadcast_in_dim3A = arith.constant 1 : i32
    %broadcast_in_dim3A_1 = vector.broadcast %broadcast_in_dim3A : i32 to vector<16xi32>
    %broadcast_in_dim3A_2 = arith.constant 0 : i32
    %broadcast_in_dim3A_3 = vector.broadcast %broadcast_in_dim3A_2 : i32 to vector<16xi32>
    %scan3A = arith.constant 0 : i32
    %scan3A_4 = arith.constant 0 : i32
    %scan3A_5 = arith.constant 2560 : i32
    %scan3A_6 = arith.addi %scan3A_4, %scan3A_5 : i32
    %scan3A_7 = arith.constant 1 : i32
    %scan3A_8 = scf.for %scan3A_17 = %scan3A_4 to %scan3A_6 step %scan3A_7 iter_args(%scan3A_18 = %scan3A) -> (i32)  : i32 {
      %mul3A_19 = arith.constant 16 : i32
      %mul3A_20 = arith.muli %scan3A_17, %mul3A_19 : i32
      %swap3A = arith.index_cast %mul3A_20 : i32 to index
      %swap3A_21 = tpu.vector_load %arg6[%swap3A] {strides = array<i32>} : memref<40960xi32, #tpu.memory_space<vmem>>, vector<16xi32>,
      tpu.vector_store %arg6[%swap3A], %broadcast_in_dim3A_3 {strides = array<i32>} : memref<40960xi32, #tpu.memory_space<vmem>>, vector<16xi32>,
      %mul3A_22 = arith.constant 16 : i32
      %mul3A_23 = arith.muli %scan3A_17, %mul3A_22 : i32
      %swap3A_24 = arith.index_cast %mul3A_23 : i32 to index
      %swap3A_25 = tpu.vector_load %arg7[%swap3A_24] {strides = array<i32>} : memref<40960xi32, #tpu.memory_space<vmem>>, vector<16xi32>,
      tpu.vector_store %arg7[%swap3A_24], %broadcast_in_dim3A_3 {strides = array<i32>} : memref<40960xi32, #tpu.memory_space<vmem>>, vector<16xi32>,
      %scan3A_26 = arith.constant 0 : i32
      scf.yield %scan3A_26 : i32
    }
    %scan3A_9 = arith.constant 2560 : i32
    %scan3A_10 = arith.constant 0 : i32
    %scan3A_11 = arith.constant 0 : i32
    %scan3A_12 = arith.constant 22 : i32
    %scan3A_13 = arith.addi %scan3A_11, %scan3A_12 : i32
    %scan3A_14 = arith.constant 1 : i32
    %scan3A_15 = scf.for %scan3A_17 = %scan3A_11 to %scan3A_13 step %scan3A_14 iter_args(%scan3A_18 = %scan3A_10) -> (i32)  : i32 {
      %mul3A_19 = arith.constant 2 : i32
      %mul3A_20 = arith.muli %scan3A_17, %mul3A_19 : i32
      %add3A_21 = arith.constant 0 : i32
      %add3A_22 = arith.addi %mul3A_20, %add3A_21 : i32
      %mul3A_23 = arith.constant 32 : i32
      %mul3A_24 = arith.muli %add3A_22, %mul3A_23 : i32
      %add3A_25 = arith.addi %add3A, %mul3A_24 : i32
      %sub3A = arith.constant 64 : i32
      %sub3A_26 = arith.subi %add3A_25, %sub3A : i32
      %ge3A = arith.constant 0 : i32
      %ge3A_27 = arith.cmpi sge, %sub3A_26, %ge3A : i32
      %lt3A = arith.constant 1250 : i32
      %lt3A_28 = arith.cmpi slt, %sub3A_26, %lt3A : i32
      %and3A = arith.andi %ge3A_27, %lt3A_28 : i1
      %convert_element_type3A = arith.extui %and3A : i1 to i32
      %cond3A = arith.constant 0 : i32
      %cond3A_29 = arith.cmpi ne, %convert_element_type3A, %cond3A : i32
      scf.if %cond3A_29 {
        %mul3A_58 = arith.constant 40960 : i32
        %mul3A_59 = arith.muli %sub3A_26, %mul3A_58 : i32
        %dma_wait3A = tpu.memref_slice %arg3[%mul3A_59] : memref<51200000xi32, #tpu.memory_space<hbm>> -> memref<40960xi32, #tpu.memory_space<hbm>>
        %dma_wait3A_60 = tpu.memref_slice %arg3[%mul3A_59] : memref<51200000xi32, #tpu.memory_space<hbm>> -> memref<40960xi32, #tpu.memory_space<hbm>>
        tpu.wait_dma2 semaphore(%arg8 : memref<!tpu.dma_semaphore, #tpu.memory_space<semaphore_mem>>) src(%arg6 : memref<40960xi32, #tpu.memory_space<vmem>>) dst(%dma_wait3A_60 : memref<40960xi32, #tpu.memory_space<hbm>>)
        %jit3A = arith.constant 25 : i32
        %eq3A = arith.constant 0 : i32
        %eq3A_61 = arith.cmpi eq, %jit3A, %eq3A : i32
        %jit3A_62 = arith.constant 1 : i32
        %select_n3A = arith.select %eq3A_61, %jit3A_62, %jit3A : i32
        %rem3A = arith.remsi %sub3A_26, %select_n3A : i32
        %ne3A = arith.constant 0 : i32
        %ne3A_63 = arith.cmpi ne, %rem3A, %ne3A : i32
        %lt3A_64 = arith.constant 0 : i32
        %lt3A_65 = arith.cmpi slt, %rem3A, %lt3A_64 : i32
        %lt3A_66 = arith.constant 0 : i32
        %lt3A_67 = arith.cmpi slt, %select_n3A, %lt3A_66 : i32
        %ne3A_68 = arith.xori %lt3A_65, %lt3A_67 : i1
        %and3A_69 = arith.andi %ne3A_68, %ne3A_63 : i1
        %add3A_70 = arith.addi %rem3A, %select_n3A : i32
        %select_n3A_71 = arith.select %and3A_69, %add3A_70, %rem3A : i32
        %mul3A_72 = arith.constant 40 : i32
        %mul3A_73 = arith.muli %select_n3A_71, %mul3A_72 : i32
        %scan3A_74 = arith.constant 0 : i32
        %scan3A_75 = arith.constant 64 : i32
        %scan3A_76 = arith.addi %scan3A_74, %scan3A_75 : i32
        %scan3A_77 = arith.constant 1 : i32
        scf.for %scan3A_79 = %scan3A_74 to %scan3A_76 step %scan3A_77  : i32 {
          %mul3A_80 = arith.constant 16 : i32
          %mul3A_81 = arith.muli %scan3A_79, %mul3A_80 : i32
          %get3A = arith.index_cast %mul3A_81 : i32 to index
          %get3A_82 = tpu.vector_load %arg4[%get3A] {strides = array<i32>} : memref<1024xi32, #tpu.memory_space<vmem>>, vector<16xi32>,
          %ge3A_83 = vector.broadcast %mul3A_73 : i32 to vector<16xi32>
          %ge3A_84 = arith.cmpi sge, %get3A_82, %ge3A_83 : vector<16xi32>
          %add3A_85 = arith.constant 40 : i32
          %add3A_86 = arith.addi %mul3A_73, %add3A_85 : i32
          %lt3A_87 = vector.broadcast %add3A_86 : i32 to vector<16xi32>
          %lt3A_88 = arith.cmpi slt, %get3A_82, %lt3A_87 : vector<16xi32>
          %and3A_89 = arith.andi %ge3A_84, %lt3A_88 : vector<16xi1>
          %sub3A_90 = vector.broadcast %mul3A_73 : i32 to vector<16xi32>
          %sub3A_91 = arith.subi %get3A_82, %sub3A_90 : vector<16xi32>
          %shift_right_arithmetic3A = arith.constant 3 : i32
          %shift_right_arithmetic3A_92 = vector.broadcast %shift_right_arithmetic3A : i32 to vector<16xi32>
          %shift_right_arithmetic3A_93 = arith.shrsi %sub3A_91, %shift_right_arithmetic3A_92 : vector<16xi32>
          %shift_left3A = arith.constant 13 : i32
          %shift_left3A_94 = vector.broadcast %shift_left3A : i32 to vector<16xi32>
          %shift_left3A_95 = arith.shli %shift_right_arithmetic3A_93, %shift_left3A_94 : vector<16xi32>
          %and3A_96 = arith.constant 7 : i32
          %and3A_97 = vector.broadcast %and3A_96 : i32 to vector<16xi32>
          %and3A_98 = arith.andi %sub3A_91, %and3A_97 : vector<16xi32>
          %shift_left3A_99 = arith.constant 7 : i32
          %shift_left3A_100 = vector.broadcast %shift_left3A_99 : i32 to vector<16xi32>
          %shift_left3A_101 = arith.shli %and3A_98, %shift_left3A_100 : vector<16xi32>
          %add3A_102 = arith.addi %shift_left3A_95, %shift_left3A_101 : vector<16xi32>
          %shift_right_arithmetic3A_103 = arith.constant 3 : i32
          %shift_right_arithmetic3A_104 = arith.shrsi %scan3A_79, %shift_right_arithmetic3A_103 : i32
          %shift_left3A_105 = arith.constant 10 : i32
          %shift_left3A_106 = arith.shli %shift_right_arithmetic3A_104, %shift_left3A_105 : i32
          %add3A_107 = vector.broadcast %shift_left3A_106 : i32 to vector<16xi32>
          %add3A_108 = arith.addi %add3A_102, %add3A_107 : vector<16xi32>
          %and3A_109 = arith.constant 7 : i32
          %and3A_110 = arith.andi %scan3A_79, %and3A_109 : i32
          %shift_left3A_111 = arith.constant 4 : i32
          %shift_left3A_112 = arith.shli %and3A_110, %shift_left3A_111 : i32
          %add3A_113 = vector.broadcast %shift_left3A_112 : i32 to vector<16xi32>
          %add3A_114 = arith.addi %add3A_108, %add3A_113 : vector<16xi32>
          %add3A_115 = arith.addi %add3A_114, %iota3A : vector<16xi32>
          tpu.vector_store_idx %arg6[%add3A_115], %broadcast_in_dim3A_3 masked %and3A_89 : memref<40960xi32, #tpu.memory_space<vmem>>[vector<16xi32>], vector<16xi32>, vector<16xi1>
        }
        %scan3A_78 = arith.constant 64 : i32
      } else {
      }
      %lt3A_30 = arith.constant 1250 : i32
      %lt3A_31 = arith.cmpi slt, %add3A_25, %lt3A_30 : i32
      %convert_element_type3A_32 = arith.extui %lt3A_31 : i1 to i32
      %cond3A_33 = arith.constant 0 : i32
      %cond3A_34 = arith.cmpi ne, %convert_element_type3A_32, %cond3A_33 : i32
      scf.if %cond3A_34 {
        %jit3A = arith.constant 25 : i32
        %div3A = arith.divsi %add3A_25, %jit3A : i32
        %sign3A = arith.constant 0 : i32
        %sign3A_58 = arith.cmpi sgt, %add3A_25, %sign3A : i32
        %sign3A_59 = arith.extui %sign3A_58 : i1 to i32
        %sign3A_60 = arith.constant 0 : i32
        %sign3A_61 = arith.cmpi slt, %add3A_25, %sign3A_60 : i32
        %sign3A_62 = arith.extui %sign3A_61 : i1 to i32
        %sign3A_63 = arith.subi %sign3A_59, %sign3A_62 : i32
        %sign3A_64 = arith.constant 0 : i32
        %sign3A_65 = arith.cmpi sgt, %jit3A, %sign3A_64 : i32
        %sign3A_66 = arith.extui %sign3A_65 : i1 to i32
        %sign3A_67 = arith.constant 0 : i32
        %sign3A_68 = arith.cmpi slt, %jit3A, %sign3A_67 : i32
        %sign3A_69 = arith.extui %sign3A_68 : i1 to i32
        %sign3A_70 = arith.subi %sign3A_66, %sign3A_69 : i32
        %ne3A = arith.cmpi ne, %sign3A_63, %sign3A_70 : i32
        %rem3A = arith.remsi %add3A_25, %jit3A : i32
        %ne3A_71 = arith.constant 0 : i32
        %ne3A_72 = arith.cmpi ne, %rem3A, %ne3A_71 : i32
        %and3A_73 = arith.andi %ne3A, %ne3A_72 : i1
        %sub3A_74 = arith.constant 1 : i32
        %sub3A_75 = arith.subi %div3A, %sub3A_74 : i32
        %select_n3A = arith.select %and3A_73, %sub3A_75, %div3A : i32
        %jit3A_76 = arith.constant 25 : i32
        %eq3A = arith.constant 0 : i32
        %eq3A_77 = arith.cmpi eq, %jit3A_76, %eq3A : i32
        %jit3A_78 = arith.constant 1 : i32
        %select_n3A_79 = arith.select %eq3A_77, %jit3A_78, %jit3A_76 : i32
        %rem3A_80 = arith.remsi %add3A_25, %select_n3A_79 : i32
        %ne3A_81 = arith.constant 0 : i32
        %ne3A_82 = arith.cmpi ne, %rem3A_80, %ne3A_81 : i32
        %lt3A_83 = arith.constant 0 : i32
        %lt3A_84 = arith.cmpi slt, %rem3A_80, %lt3A_83 : i32
        %lt3A_85 = arith.constant 0 : i32
        %lt3A_86 = arith.cmpi slt, %select_n3A_79, %lt3A_85 : i32
        %ne3A_87 = arith.xori %lt3A_84, %lt3A_86 : i1
        %and3A_88 = arith.andi %ne3A_87, %ne3A_82 : i1
        %add3A_89 = arith.addi %rem3A_80, %select_n3A_79 : i32
        %select_n3A_90 = arith.select %and3A_88, %add3A_89, %rem3A_80 : i32
        %mul3A_91 = arith.constant 40 : i32
        %mul3A_92 = arith.muli %select_n3A_90, %mul3A_91 : i32
        %mul3A_93 = arith.constant 1024 : i32
        %mul3A_94 = arith.muli %select_n3A, %mul3A_93 : i32
        "tpu.region"() ({
          %run_scoped3A = tpu.sem_alloc : memref<!tpu.dma_semaphore, #tpu.memory_space<semaphore_mem>>
          %dma_start3A_103 = tpu.memref_slice %arg2[%mul3A_94] : memref<51200xi32, #tpu.memory_space<hbm>> -> memref<1024xi32, #tpu.memory_space<hbm>>
          %dma_start3A_104 = tpu.memref_slice %arg2[%mul3A_94] : memref<51200xi32, #tpu.memory_space<hbm>> -> memref<1024xi32, #tpu.memory_space<hbm>>
          tpu.enqueue_dma source(%dma_start3A_104 : memref<1024xi32, #tpu.memory_space<hbm>>) target(%arg4 : memref<1024xi32, #tpu.memory_space<vmem>>) target_semaphore(%run_scoped3A : memref<!tpu.dma_semaphore, #tpu.memory_space<semaphore_mem>>)
          %dma_wait3A = tpu.memref_slice %arg2[%mul3A_94] : memref<51200xi32, #tpu.memory_space<hbm>> -> memref<1024xi32, #tpu.memory_space<hbm>>
          %dma_wait3A_105 = tpu.memref_slice %arg2[%mul3A_94] : memref<51200xi32, #tpu.memory_space<hbm>> -> memref<1024xi32, #tpu.memory_space<hbm>>
          tpu.wait_dma2 semaphore(%run_scoped3A : memref<!tpu.dma_semaphore, #tpu.memory_space<semaphore_mem>>) src(%dma_wait3A_105 : memref<1024xi32, #tpu.memory_space<hbm>>) dst(%arg4 : memref<1024xi32, #tpu.memory_space<vmem>>)
          tpu.yield
        }) : () -> ()
        %scan3A_95 = arith.constant 0 : i32
        %scan3A_96 = arith.constant 64 : i32
        %scan3A_97 = arith.addi %scan3A_95, %scan3A_96 : i32
        %scan3A_98 = arith.constant 1 : i32
        scf.for %scan3A_103 = %scan3A_95 to %scan3A_97 step %scan3A_98  : i32 {
          %mul3A_104 = arith.constant 16 : i32
          %mul3A_105 = arith.muli %scan3A_103, %mul3A_104 : i32
          %get3A = arith.index_cast %mul3A_105 : i32 to index
          %get3A_106 = tpu.vector_load %arg4[%get3A] {strides = array<i32>} : memref<1024xi32, #tpu.memory_space<vmem>>, vector<16xi32>,
          %ge3A_107 = vector.broadcast %mul3A_92 : i32 to vector<16xi32>
          %ge3A_108 = arith.cmpi sge, %get3A_106, %ge3A_107 : vector<16xi32>
          %add3A_109 = arith.constant 40 : i32
          %add3A_110 = arith.addi %mul3A_92, %add3A_109 : i32
          %lt3A_111 = vector.broadcast %add3A_110 : i32 to vector<16xi32>
          %lt3A_112 = arith.cmpi slt, %get3A_106, %lt3A_111 : vector<16xi32>
          %and3A_113 = arith.andi %ge3A_108, %lt3A_112 : vector<16xi1>
          %sub3A_114 = vector.broadcast %mul3A_92 : i32 to vector<16xi32>
          %sub3A_115 = arith.subi %get3A_106, %sub3A_114 : vector<16xi32>
          %shift_right_arithmetic3A = arith.constant 3 : i32
          %shift_right_arithmetic3A_116 = vector.broadcast %shift_right_arithmetic3A : i32 to vector<16xi32>
          %shift_right_arithmetic3A_117 = arith.shrsi %sub3A_115, %shift_right_arithmetic3A_116 : vector<16xi32>
          %shift_left3A = arith.constant 13 : i32
          %shift_left3A_118 = vector.broadcast %shift_left3A : i32 to vector<16xi32>
          %shift_left3A_119 = arith.shli %shift_right_arithmetic3A_117, %shift_left3A_118 : vector<16xi32>
          %and3A_120 = arith.constant 7 : i32
          %and3A_121 = vector.broadcast %and3A_120 : i32 to vector<16xi32>
          %and3A_122 = arith.andi %sub3A_115, %and3A_121 : vector<16xi32>
          %shift_left3A_123 = arith.constant 7 : i32
          %shift_left3A_124 = vector.broadcast %shift_left3A_123 : i32 to vector<16xi32>
          %shift_left3A_125 = arith.shli %and3A_122, %shift_left3A_124 : vector<16xi32>
          %add3A_126 = arith.addi %shift_left3A_119, %shift_left3A_125 : vector<16xi32>
          %shift_right_arithmetic3A_127 = arith.constant 3 : i32
          %shift_right_arithmetic3A_128 = arith.shrsi %scan3A_103, %shift_right_arithmetic3A_127 : i32
          %shift_left3A_129 = arith.constant 10 : i32
          %shift_left3A_130 = arith.shli %shift_right_arithmetic3A_128, %shift_left3A_129 : i32
          %add3A_131 = vector.broadcast %shift_left3A_130 : i32 to vector<16xi32>
          %add3A_132 = arith.addi %add3A_126, %add3A_131 : vector<16xi32>
          %and3A_133 = arith.constant 7 : i32
          %and3A_134 = arith.andi %scan3A_103, %and3A_133 : i32
          %shift_left3A_135 = arith.constant 4 : i32
          %shift_left3A_136 = arith.shli %and3A_134, %shift_left3A_135 : i32
          %add3A_137 = vector.broadcast %shift_left3A_136 : i32 to vector<16xi32>
          %add3A_138 = arith.addi %add3A_132, %add3A_137 : vector<16xi32>
          %add3A_139 = arith.addi %add3A_138, %iota3A : vector<16xi32>
          tpu.vector_store_idx %arg6[%add3A_139], %broadcast_in_dim3A_1 masked %and3A_113 : memref<40960xi32, #tpu.memory_space<vmem>>[vector<16xi32>], vector<16xi32>, vector<16xi1>
        }
        %scan3A_99 = arith.constant 64 : i32
        %mul3A_100 = arith.constant 40960 : i32
        %mul3A_101 = arith.muli %add3A_25, %mul3A_100 : i32
        %dma_start3A = tpu.memref_slice %arg3[%mul3A_101] : memref<51200000xi32, #tpu.memory_space<hbm>> -> memref<40960xi32, #tpu.memory_space<hbm>>
        %dma_start3A_102 = tpu.memref_slice %arg3[%mul3A_101] : memref<51200000xi32, #tpu.memory_space<hbm>> -> memref<40960xi32, #tpu.memory_space<hbm>>
        tpu.enqueue_dma source(%arg6 : memref<40960xi32, #tpu.memory_space<vmem>>) target(%dma_start3A_102 : memref<40960xi32, #tpu.memory_space<hbm>>) target_semaphore(%arg8 : memref<!tpu.dma_semaphore, #tpu.memory_space<semaphore_mem>>)
      } else {
      }
      %mul3A_35 = arith.constant 2 : i32
      %mul3A_36 = arith.muli %scan3A_17, %mul3A_35 : i32
      %add3A_37 = arith.constant 1 : i32
      %add3A_38 = arith.addi %mul3A_36, %add3A_37 : i32
      %mul3A_39 = arith.constant 32 : i32
      %mul3A_40 = arith.muli %add3A_38, %mul3A_39 : i32
      %add3A_41 = arith.addi %add3A, %mul3A_40 : i32
      %sub3A_42 = arith.constant 64 : i32
      %sub3A_43 = arith.subi %add3A_41, %sub3A_42 : i32
      %ge3A_44 = arith.constant 0 : i32
      %ge3A_45 = arith.cmpi sge, %sub3A_43, %ge3A_44 : i32
      %lt3A_46 = arith.constant 1250 : i32
      %lt3A_47 = arith.cmpi slt, %sub3A_43, %lt3A_46 : i32
      %and3A_48 = arith.andi %ge3A_45, %lt3A_47 : i1
      %convert_element_type3A_49 = arith.extui %and3A_48 : i1 to i32
      %cond3A_50 = arith.constant 0 : i32
      %cond3A_51 = arith.cmpi ne, %convert_element_type3A_49, %cond3A_50 : i32
      scf.if %cond3A_51 {
        %mul3A_58 = arith.constant 40960 : i32
        %mul3A_59 = arith.muli %sub3A_43, %mul3A_58 : i32
        %dma_wait3A = tpu.memref_slice %arg3[%mul3A_59] : memref<51200000xi32, #tpu.memory_space<hbm>> -> memref<40960xi32, #tpu.memory_space<hbm>>
        %dma_wait3A_60 = tpu.memref_slice %arg3[%mul3A_59] : memref<51200000xi32, #tpu.memory_space<hbm>> -> memref<40960xi32, #tpu.memory_space<hbm>>
        tpu.wait_dma2 semaphore(%arg9 : memref<!tpu.dma_semaphore, #tpu.memory_space<semaphore_mem>>) src(%arg7 : memref<40960xi32, #tpu.memory_space<vmem>>) dst(%dma_wait3A_60 : memref<40960xi32, #tpu.memory_space<hbm>>)
        %jit3A = arith.constant 25 : i32
        %eq3A = arith.constant 0 : i32
        %eq3A_61 = arith.cmpi eq, %jit3A, %eq3A : i32
        %jit3A_62 = arith.constant 1 : i32
        %select_n3A = arith.select %eq3A_61, %jit3A_62, %jit3A : i32
        %rem3A = arith.remsi %sub3A_43, %select_n3A : i32
        %ne3A = arith.constant 0 : i32
        %ne3A_63 = arith.cmpi ne, %rem3A, %ne3A : i32
        %lt3A_64 = arith.constant 0 : i32
        %lt3A_65 = arith.cmpi slt, %rem3A, %lt3A_64 : i32
        %lt3A_66 = arith.constant 0 : i32
        %lt3A_67 = arith.cmpi slt, %select_n3A, %lt3A_66 : i32
        %ne3A_68 = arith.xori %lt3A_65, %lt3A_67 : i1
        %and3A_69 = arith.andi %ne3A_68, %ne3A_63 : i1
        %add3A_70 = arith.addi %rem3A, %select_n3A : i32
        %select_n3A_71 = arith.select %and3A_69, %add3A_70, %rem3A : i32
        %mul3A_72 = arith.constant 40 : i32
        %mul3A_73 = arith.muli %select_n3A_71, %mul3A_72 : i32
        %scan3A_74 = arith.constant 0 : i32
        %scan3A_75 = arith.constant 64 : i32
        %scan3A_76 = arith.addi %scan3A_74, %scan3A_75 : i32
        %scan3A_77 = arith.constant 1 : i32
        scf.for %scan3A_79 = %scan3A_74 to %scan3A_76 step %scan3A_77  : i32 {
          %mul3A_80 = arith.constant 16 : i32
          %mul3A_81 = arith.muli %scan3A_79, %mul3A_80 : i32
          %get3A = arith.index_cast %mul3A_81 : i32 to index
          %get3A_82 = tpu.vector_load %arg5[%get3A] {strides = array<i32>} : memref<1024xi32, #tpu.memory_space<vmem>>, vector<16xi32>,
          %ge3A_83 = vector.broadcast %mul3A_73 : i32 to vector<16xi32>
          %ge3A_84 = arith.cmpi sge, %get3A_82, %ge3A_83 : vector<16xi32>
          %add3A_85 = arith.constant 40 : i32
          %add3A_86 = arith.addi %mul3A_73, %add3A_85 : i32
          %lt3A_87 = vector.broadcast %add3A_86 : i32 to vector<16xi32>
          %lt3A_88 = arith.cmpi slt, %get3A_82, %lt3A_87 : vector<16xi32>
          %and3A_89 = arith.andi %ge3A_84, %lt3A_88 : vector<16xi1>
          %sub3A_90 = vector.broadcast %mul3A_73 : i32 to vector<16xi32>
          %sub3A_91 = arith.subi %get3A_82, %sub3A_90 : vector<16xi32>
          %shift_right_arithmetic3A = arith.constant 3 : i32
          %shift_right_arithmetic3A_92 = vector.broadcast %shift_right_arithmetic3A : i32 to vector<16xi32>
          %shift_right_arithmetic3A_93 = arith.shrsi %sub3A_91, %shift_right_arithmetic3A_92 : vector<16xi32>
          %shift_left3A = arith.constant 13 : i32
          %shift_left3A_94 = vector.broadcast %shift_left3A : i32 to vector<16xi32>
          %shift_left3A_95 = arith.shli %shift_right_arithmetic3A_93, %shift_left3A_94 : vector<16xi32>
          %and3A_96 = arith.constant 7 : i32
          %and3A_97 = vector.broadcast %and3A_96 : i32 to vector<16xi32>
          %and3A_98 = arith.andi %sub3A_91, %and3A_97 : vector<16xi32>
          %shift_left3A_99 = arith.constant 7 : i32
          %shift_left3A_100 = vector.broadcast %shift_left3A_99 : i32 to vector<16xi32>
          %shift_left3A_101 = arith.shli %and3A_98, %shift_left3A_100 : vector<16xi32>
          %add3A_102 = arith.addi %shift_left3A_95, %shift_left3A_101 : vector<16xi32>
          %shift_right_arithmetic3A_103 = arith.constant 3 : i32
          %shift_right_arithmetic3A_104 = arith.shrsi %scan3A_79, %shift_right_arithmetic3A_103 : i32
          %shift_left3A_105 = arith.constant 10 : i32
          %shift_left3A_106 = arith.shli %shift_right_arithmetic3A_104, %shift_left3A_105 : i32
          %add3A_107 = vector.broadcast %shift_left3A_106 : i32 to vector<16xi32>
          %add3A_108 = arith.addi %add3A_102, %add3A_107 : vector<16xi32>
          %and3A_109 = arith.constant 7 : i32
          %and3A_110 = arith.andi %scan3A_79, %and3A_109 : i32
          %shift_left3A_111 = arith.constant 4 : i32
          %shift_left3A_112 = arith.shli %and3A_110, %shift_left3A_111 : i32
          %add3A_113 = vector.broadcast %shift_left3A_112 : i32 to vector<16xi32>
          %add3A_114 = arith.addi %add3A_108, %add3A_113 : vector<16xi32>
          %add3A_115 = arith.addi %add3A_114, %iota3A : vector<16xi32>
          tpu.vector_store_idx %arg7[%add3A_115], %broadcast_in_dim3A_3 masked %and3A_89 : memref<40960xi32, #tpu.memory_space<vmem>>[vector<16xi32>], vector<16xi32>, vector<16xi1>
        }
        %scan3A_78 = arith.constant 64 : i32
      } else {
      }
      %lt3A_52 = arith.constant 1250 : i32
      %lt3A_53 = arith.cmpi slt, %add3A_41, %lt3A_52 : i32
      %convert_element_type3A_54 = arith.extui %lt3A_53 : i1 to i32
      %cond3A_55 = arith.constant 0 : i32
      %cond3A_56 = arith.cmpi ne, %convert_element_type3A_54, %cond3A_55 : i32
      scf.if %cond3A_56 {
        %jit3A = arith.constant 25 : i32
        %div3A = arith.divsi %add3A_41, %jit3A : i32
        %sign3A = arith.constant 0 : i32
        %sign3A_58 = arith.cmpi sgt, %add3A_41, %sign3A : i32
        %sign3A_59 = arith.extui %sign3A_58 : i1 to i32
        %sign3A_60 = arith.constant 0 : i32
        %sign3A_61 = arith.cmpi slt, %add3A_41, %sign3A_60 : i32
        %sign3A_62 = arith.extui %sign3A_61 : i1 to i32
        %sign3A_63 = arith.subi %sign3A_59, %sign3A_62 : i32
        %sign3A_64 = arith.constant 0 : i32
        %sign3A_65 = arith.cmpi sgt, %jit3A, %sign3A_64 : i32
        %sign3A_66 = arith.extui %sign3A_65 : i1 to i32
        %sign3A_67 = arith.constant 0 : i32
        %sign3A_68 = arith.cmpi slt, %jit3A, %sign3A_67 : i32
        %sign3A_69 = arith.extui %sign3A_68 : i1 to i32
        %sign3A_70 = arith.subi %sign3A_66, %sign3A_69 : i32
        %ne3A = arith.cmpi ne, %sign3A_63, %sign3A_70 : i32
        %rem3A = arith.remsi %add3A_41, %jit3A : i32
        %ne3A_71 = arith.constant 0 : i32
        %ne3A_72 = arith.cmpi ne, %rem3A, %ne3A_71 : i32
        %and3A_73 = arith.andi %ne3A, %ne3A_72 : i1
        %sub3A_74 = arith.constant 1 : i32
        %sub3A_75 = arith.subi %div3A, %sub3A_74 : i32
        %select_n3A = arith.select %and3A_73, %sub3A_75, %div3A : i32
        %jit3A_76 = arith.constant 25 : i32
        %eq3A = arith.constant 0 : i32
        %eq3A_77 = arith.cmpi eq, %jit3A_76, %eq3A : i32
        %jit3A_78 = arith.constant 1 : i32
        %select_n3A_79 = arith.select %eq3A_77, %jit3A_78, %jit3A_76 : i32
        %rem3A_80 = arith.remsi %add3A_41, %select_n3A_79 : i32
        %ne3A_81 = arith.constant 0 : i32
        %ne3A_82 = arith.cmpi ne, %rem3A_80, %ne3A_81 : i32
        %lt3A_83 = arith.constant 0 : i32
        %lt3A_84 = arith.cmpi slt, %rem3A_80, %lt3A_83 : i32
        %lt3A_85 = arith.constant 0 : i32
        %lt3A_86 = arith.cmpi slt, %select_n3A_79, %lt3A_85 : i32
        %ne3A_87 = arith.xori %lt3A_84, %lt3A_86 : i1
        %and3A_88 = arith.andi %ne3A_87, %ne3A_82 : i1
        %add3A_89 = arith.addi %rem3A_80, %select_n3A_79 : i32
        %select_n3A_90 = arith.select %and3A_88, %add3A_89, %rem3A_80 : i32
        %mul3A_91 = arith.constant 40 : i32
        %mul3A_92 = arith.muli %select_n3A_90, %mul3A_91 : i32
        %mul3A_93 = arith.constant 1024 : i32
        %mul3A_94 = arith.muli %select_n3A, %mul3A_93 : i32
        "tpu.region"() ({
          %run_scoped3A = tpu.sem_alloc : memref<!tpu.dma_semaphore, #tpu.memory_space<semaphore_mem>>
          %dma_start3A_103 = tpu.memref_slice %arg2[%mul3A_94] : memref<51200xi32, #tpu.memory_space<hbm>> -> memref<1024xi32, #tpu.memory_space<hbm>>
          %dma_start3A_104 = tpu.memref_slice %arg2[%mul3A_94] : memref<51200xi32, #tpu.memory_space<hbm>> -> memref<1024xi32, #tpu.memory_space<hbm>>
          tpu.enqueue_dma source(%dma_start3A_104 : memref<1024xi32, #tpu.memory_space<hbm>>) target(%arg5 : memref<1024xi32, #tpu.memory_space<vmem>>) target_semaphore(%run_scoped3A : memref<!tpu.dma_semaphore, #tpu.memory_space<semaphore_mem>>)
          %dma_wait3A = tpu.memref_slice %arg2[%mul3A_94] : memref<51200xi32, #tpu.memory_space<hbm>> -> memref<1024xi32, #tpu.memory_space<hbm>>
          %dma_wait3A_105 = tpu.memref_slice %arg2[%mul3A_94] : memref<51200xi32, #tpu.memory_space<hbm>> -> memref<1024xi32, #tpu.memory_space<hbm>>
          tpu.wait_dma2 semaphore(%run_scoped3A : memref<!tpu.dma_semaphore, #tpu.memory_space<semaphore_mem>>) src(%dma_wait3A_105 : memref<1024xi32, #tpu.memory_space<hbm>>) dst(%arg5 : memref<1024xi32, #tpu.memory_space<vmem>>)
          tpu.yield
        }) : () -> ()
        %scan3A_95 = arith.constant 0 : i32
        %scan3A_96 = arith.constant 64 : i32
        %scan3A_97 = arith.addi %scan3A_95, %scan3A_96 : i32
        %scan3A_98 = arith.constant 1 : i32
        scf.for %scan3A_103 = %scan3A_95 to %scan3A_97 step %scan3A_98  : i32 {
          %mul3A_104 = arith.constant 16 : i32
          %mul3A_105 = arith.muli %scan3A_103, %mul3A_104 : i32
          %get3A = arith.index_cast %mul3A_105 : i32 to index
          %get3A_106 = tpu.vector_load %arg5[%get3A] {strides = array<i32>} : memref<1024xi32, #tpu.memory_space<vmem>>, vector<16xi32>,
          %ge3A_107 = vector.broadcast %mul3A_92 : i32 to vector<16xi32>
          %ge3A_108 = arith.cmpi sge, %get3A_106, %ge3A_107 : vector<16xi32>
          %add3A_109 = arith.constant 40 : i32
          %add3A_110 = arith.addi %mul3A_92, %add3A_109 : i32
          %lt3A_111 = vector.broadcast %add3A_110 : i32 to vector<16xi32>
          %lt3A_112 = arith.cmpi slt, %get3A_106, %lt3A_111 : vector<16xi32>
          %and3A_113 = arith.andi %ge3A_108, %lt3A_112 : vector<16xi1>
          %sub3A_114 = vector.broadcast %mul3A_92 : i32 to vector<16xi32>
          %sub3A_115 = arith.subi %get3A_106, %sub3A_114 : vector<16xi32>
          %shift_right_arithmetic3A = arith.constant 3 : i32
          %shift_right_arithmetic3A_116 = vector.broadcast %shift_right_arithmetic3A : i32 to vector<16xi32>
          %shift_right_arithmetic3A_117 = arith.shrsi %sub3A_115, %shift_right_arithmetic3A_116 : vector<16xi32>
          %shift_left3A = arith.constant 13 : i32
          %shift_left3A_118 = vector.broadcast %shift_left3A : i32 to vector<16xi32>
          %shift_left3A_119 = arith.shli %shift_right_arithmetic3A_117, %shift_left3A_118 : vector<16xi32>
          %and3A_120 = arith.constant 7 : i32
          %and3A_121 = vector.broadcast %and3A_120 : i32 to vector<16xi32>
          %and3A_122 = arith.andi %sub3A_115, %and3A_121 : vector<16xi32>
          %shift_left3A_123 = arith.constant 7 : i32
          %shift_left3A_124 = vector.broadcast %shift_left3A_123 : i32 to vector<16xi32>
          %shift_left3A_125 = arith.shli %and3A_122, %shift_left3A_124 : vector<16xi32>
          %add3A_126 = arith.addi %shift_left3A_119, %shift_left3A_125 : vector<16xi32>
          %shift_right_arithmetic3A_127 = arith.constant 3 : i32
          %shift_right_arithmetic3A_128 = arith.shrsi %scan3A_103, %shift_right_arithmetic3A_127 : i32
          %shift_left3A_129 = arith.constant 10 : i32
          %shift_left3A_130 = arith.shli %shift_right_arithmetic3A_128, %shift_left3A_129 : i32
          %add3A_131 = vector.broadcast %shift_left3A_130 : i32 to vector<16xi32>
          %add3A_132 = arith.addi %add3A_126, %add3A_131 : vector<16xi32>
          %and3A_133 = arith.constant 7 : i32
          %and3A_134 = arith.andi %scan3A_103, %and3A_133 : i32
          %shift_left3A_135 = arith.constant 4 : i32
          %shift_left3A_136 = arith.shli %and3A_134, %shift_left3A_135 : i32
          %add3A_137 = vector.broadcast %shift_left3A_136 : i32 to vector<16xi32>
          %add3A_138 = arith.addi %add3A_132, %add3A_137 : vector<16xi32>
          %add3A_139 = arith.addi %add3A_138, %iota3A : vector<16xi32>
          tpu.vector_store_idx %arg7[%add3A_139], %broadcast_in_dim3A_1 masked %and3A_113 : memref<40960xi32, #tpu.memory_space<vmem>>[vector<16xi32>], vector<16xi32>, vector<16xi1>
        }
        %scan3A_99 = arith.constant 64 : i32
        %mul3A_100 = arith.constant 40960 : i32
        %mul3A_101 = arith.muli %add3A_41, %mul3A_100 : i32
        %dma_start3A = tpu.memref_slice %arg3[%mul3A_101] : memref<51200000xi32, #tpu.memory_space<hbm>> -> memref<40960xi32, #tpu.memory_space<hbm>>
        %dma_start3A_102 = tpu.memref_slice %arg3[%mul3A_101] : memref<51200000xi32, #tpu.memory_space<hbm>> -> memref<40960xi32, #tpu.memory_space<hbm>>
        tpu.enqueue_dma source(%arg7 : memref<40960xi32, #tpu.memory_space<vmem>>) target(%dma_start3A_102 : memref<40960xi32, #tpu.memory_space<hbm>>) target_semaphore(%arg9 : memref<!tpu.dma_semaphore, #tpu.memory_space<semaphore_mem>>)
      } else {
      }
      %scan3A_57 = arith.constant 0 : i32
      scf.yield %scan3A_57 : i32
    }
    %scan3A_16 = arith.constant 22 : i32
    return
  }
}

</mosaic_0001>

<sc_bundles>
// kernel: kernel.3.cloned.1.call-start
scs
__scs_entry_jumppad:
0x0: {  	(pc) =	sbr.rel $0x88, $3  }
0x1: {  	(tag) =	ssettag $0x0;
	lr =	simm.s32 $0x1  }
0x2: {  	[smem:$0x3FA0] =	sst lr;
	_ =	strace $0xD0000000  }
0x3: {  	_ = 	snop  }
0x4: {  	_ = 	snop  }
0x5: {  	_ = 	snop  }
0x6: {  	_ = 	snop  }
0x7: {  	_ = 	snop  }
__scs_overlays_trampoline_lowered:
0x8: {  	[smem:$0x3FAF] =	sst s0  }
0x9: {  	[smem:$0x3FB0] =	sst s1  }
0xa: {  	[smem:$0x3FB1] =	sst s2  }
0xb: {  	[smem:$0x3FB2] =	sst s3  }
0xc: {  	[smem:$0x3FB3] =	sst s4  }
0xd: {  	[smem:$0x3FB4] =	sst s5  }
0xe: {  	[smem:$0x3FB5] =	sst s6  }
0xf: {  	[smem:$0x3FB6] =	sst s7  }
0x10: {  	[smem:$0x3FB7] =	sst s8  }
0x11: {  	[smem:$0x3FB8] =	sst s9;
	s0 =	simm.s32 @!p0 $0x0  }
0x12: {  	s1 =	sld [smem:$0x3F9E];
	s0 =	simm.s32 @p0 $0x1  }
0x13: {  	[smem:$0x3FB9] =	sst s0;
	s0 =	simm.s32 @!p1 $0x0  }
0x14: {  	s2 =	sld [smem:$0x3F9D];
	s0 =	simm.s32 @p1 $0x1  }
0x15: {  	[smem:$0x3FBA] =	sst s0;
	s0 =	simm.s32 @!p2 $0x0  }
0x16: {  	s3 =	sld [smem:$0x3FDB];
	s0 =	simm.s32 @p2 $0x1  }
0x17: {  	s4 =	simm.s32 $0x1BF5;
	[smem:$0x3FBC] =	sst s0  }
0x18: {  	s0 =	sld [smem:$0x3F9F];
	_ =	swait.ge [sflag:s4], $0x0  }
0x19: {  	s7 =	sld [smem:$0x3FA0]  }
0x1a: {  	s8 =	sadd.s32 $0xFFFFE003, lr  }
0x1b: {  	s9 =	sadd.s32 $0xFFFFFEF7, lr;
	s5 =	simm.s32 $0xFFFFFFFF;
	p2 =	slt.u32 s8, $0xFFFFF086  }
0x1c: {  	p1 =	slt.u32 s9, $0xF7A;
	s5 =	simm.s32 @!p2 $0x0  }
0x1d: {  	s5 =	simm.s32 @p1 $0x1;
	p0 =	seq.s32 s7, s2  }
0x1e: {  	s7 =	smul.u32 @!p0 $0xF7A, s2;
	p2 =	seq.s32 @!p0 s5, $0x0  }
0x1f: {  	s9 =	smul.u32 $0xF7A, s1;
	s8 =	simm.s32 @!p0 $0x1BF5;
	p2 =	por !p2, p0  }
0x20: {  	[sflag:s8] =	ssyncset.s32 @!p0 $0xFFFFF086;
	s6 =	sadd.s32 @!p0 s3, s7;
	s7 =	simm.s32 @!p0 $0x108  }
0x21: {  	s3 =	sadd.s32 s3, s9;
	s6 =	sadd.s32 @!p0 $0x88, s6;
	s7 =	simm.s32 @p2 $0x1082  }
0x22: {  	[simem:s7], [sflag:s8] =	dma.local @!p0 [hbm:s6], $0xF7A  }
0x23: {  	s9 =	sor.u32 $0xD0000000, s2;
	s6 =	simm.s32 $0x108;
	_ =	swait.ge @!p0 [sflag:s8], $0x0  }
0x24: {  	s3 =	sadd.s32 $0x88, s3;
	s6 =	simm.s32 @!p1 $0x1082;
	[sflag:s4] =	ssyncset.s32 $0xFFFFF086  }
0x25: {  	[simem:s6], [sflag:s4] =	dma.local [hbm:s3], $0xF7A  }
0x26: {  	[smem:$0x3FA0] =	sst s1;
	(tag) =	ssettag s2;
	_ =	strace s9  }
0x27: {  	s1 =	sld [smem:$0x3FB0]  }
0x28: {  	s2 =	sld [smem:$0x3FB1]  }
0x29: {  	s4 =	sld [smem:$0x3FB3]  }
0x2a: {  	p0 =	seq.s32 s5, $0x0;
	s5 =	sld [smem:$0x3FB4]  }
0x2b: {  	s6 =	sld [smem:$0x3FB5]  }
0x2c: {  	s7 =	sld [smem:$0x3FB6]  }
0x2d: {  	s3 =	simm.s32 $0x108;
	s8 =	sld [smem:$0x3FB7]  }
0x2e: {  	s3 =	simm.s32 @!p0 $0x1082;
	s9 =	sld [smem:$0x3FB8]  }
0x2f: {  	lr =	sadd.s32 s0, s3;
	s0 =	sld [smem:$0x3FAF]  }
0x30: {  	s3 =	sld [smem:$0x3FB2]  }
0x31: {  	[smem:$0x3FBB] =	sst s10  }
0x32: {  	s10 =	sld [smem:$0x3FB9];
	_ =	sdelay $0x3  }
0x33: {  	p0 =	seq.s32 s10, $0x1;
	s10 =	sld [smem:$0x3FBB];
	_ =	sdelay $0x3  }
0x34: {  	[smem:$0x3FBB] =	sst s10  }
0x35: {  	s10 =	sld [smem:$0x3FBA];
	_ =	sdelay $0x3  }
0x36: {  	p1 =	seq.s32 s10, $0x1;
	s10 =	sld [smem:$0x3FBB];
	_ =	sdelay $0x3  }
0x37: {  	[smem:$0x3FBB] =	sst s10  }
0x38: {  	s10 =	sld [smem:$0x3FBC]  }
0x39: {  	_ = 	snop;
	(pc) =	sbr.ind lr, $3  }
0x3a: {  	_ = 	snop  }
0x3b: {  	_ = 	snop  }
0x3c: {  	p2 =	seq.s32 s10, $0x1;
	s10 =	sld [smem:$0x3FBB]  }
0x3d: {  	_ =	shalt  }
0x3e: {  	_ =	shalt  }
0x3f: {  	_ =	shalt  }
0x40: {  	_ =	shalt  }
0x41: {  	_ =	shalt  }
0x42: {  	_ =	shalt  }
0x43: {  	_ =	shalt  }
0x44: {  	_ =	shalt  }
0x45: {  	_ =	shalt  }
0x46: {  	_ =	shalt  }
0x47: {  	_ =	shalt  }
0x48: {  	_ =	shalt  }
0x49: {  	_ =	shalt  }
0x4a: {  	_ =	shalt  }
0x4b: {  	_ =	shalt  }
0x4c: {  	_ =	shalt  }
0x4d: {  	_ =	shalt  }
0x4e: {  	_ =	shalt  }
0x4f: {  	_ =	shalt  }
0x50: {  	_ =	shalt  }
0x51: {  	_ =	shalt  }
0x52: {  	_ =	shalt  }
0x53: {  	_ =	shalt  }
0x54: {  	_ =	shalt  }
0x55: {  	_ =	shalt  }
0x56: {  	_ =	shalt  }
0x57: {  	_ =	shalt  }
0x58: {  	_ =	shalt  }
0x59: {  	_ =	shalt  }
0x5a: {  	_ =	shalt  }
0x5b: {  	_ =	shalt  }
0x5c: {  	_ =	shalt  }
0x5d: {  	_ =	shalt  }
0x5e: {  	_ =	shalt  }
0x5f: {  	_ =	shalt  }
0x60: {  	_ =	shalt  }
0x61: {  	_ =	shalt  }
0x62: {  	_ =	shalt  }
0x63: {  	_ =	shalt  }
0x64: {  	_ =	shalt  }
0x65: {  	_ =	shalt  }
0x66: {  	_ =	shalt  }
0x67: {  	_ =	shalt  }
0x68: {  	_ =	shalt  }
0x69: {  	_ =	shalt  }
0x6a: {  	_ =	shalt  }
0x6b: {  	_ =	shalt  }
0x6c: {  	_ =	shalt  }
0x6d: {  	_ =	shalt  }
0x6e: {  	_ =	shalt  }
0x6f: {  	_ =	shalt  }
0x70: {  	_ =	shalt  }
0x71: {  	_ =	shalt  }
0x72: {  	_ =	shalt  }
0x73: {  	_ =	shalt  }
0x74: {  	_ =	shalt  }
0x75: {  	_ =	shalt  }
0x76: {  	_ =	shalt  }
0x77: {  	_ =	shalt  }
0x78: {  	_ =	shalt  }
0x79: {  	_ =	shalt  }
0x7a: {  	_ =	shalt  }
0x7b: {  	_ =	shalt  }
0x7c: {  	_ =	shalt  }
0x7d: {  	_ =	shalt  }
0x7e: {  	_ =	shalt  }
0x7f: {  	_ =	shalt  }
0x80: {  	_ =	shalt  }
0x81: {  	_ =	shalt  }
0x82: {  	_ =	shalt  }
0x83: {  	_ =	shalt  }
0x84: {  	_ =	shalt  }
0x85: {  	_ =	shalt  }
0x86: {  	_ =	shalt  }
0x87: {  	_ =	shalt  }
.Lfunc_end0:
.L_simem_size_0:
called_computation_lowered:
.L_overlay_start_0:
0x88: {  	s2 =	sld [smem:$0x3FD9]  }
0x89: {  	s3 =	sld [smem:$0x3FFE];
	_ =	sdelay $0x1  }
0x8a: {  	s1 =	srdreg.scid  }
0x8b: {  	s0 =	sand.u32 $0x1, s1  }
0x8c: {  	s17 =	sshll.u32 s0, $0xA;
	s2 =	sadd.s32 s3, s2  }
0x8d: {  	s2 =	sadd.s32 s2, s17  }
0x8e: {  	[smem:$0x3FC7] =	sst s2  }
0x8f: {  	_ = 	snop  }
0x90: {  	s2 =	sld [smem:$0x3FD0];
	(tm) =	ssettm $0x1  }
0x91: {  	s18 =	sld [smem:$0x3FFB];
	_ =	sdelay $0x3  }
0x92: {  	_ =	strace s18  }
0x93: {  	s3 =	sld [smem:$0x3FFC];
	_ =	sdelay $0x3  }
0x94: {  	_ =	strace s3  }
0x95: {  	s3 =	sld [smem:$0x3FFD];
	_ =	sdelay $0x3  }
0x96: {  	_ =	strace s3  }
0x97: {  	_ =	strace $0x8FFFFFFF  }
0x98: {  	s19 =	sld [smem:$0x3FDB];
	_ =	sdelay $0x1  }
0x99: {  	s4 =	simm.s32 $_scs_section_size  }
0x9a: {  	s5 =	simm.s32 $_size__tile_overlayer_lowered;
	s6 =	simm.s32 $_tile_overlayer_lowered  }
0x9b: {  	s22 =	simm.s32 $0x1BFF;
	s21 =	sshll.u32 s6, $0x1;
	s3 =	sadd.s32 s4, s19  }
0x9c: {  	s7 =	simm.s32 $0x0;
	s20 =	sshll.u32 s5, $0x1;
	s5 =	sadd.s32 s21, s3  }
0x9d: {  	[timem:s7], [sflag:s22] =	dma.local [hbm:s5], s20  }
0x9e: {  	_ =	swait.ge [sflag:s22], s20  }
0x9f: {  	s4 =	ssub.s32 $0x0, s20;
	[sflag:s22] =	ssyncset.done $0x0  }
0xa0: {  	[sflag:s22] =	ssyncadd.s32 s4;
	_ =	sdelay $0x1  }
0xa1: {  	s23 =	simm.s32 $0x1B8B  }
0xa2: {  	_ =	swait.ge [sflag:s23], $0x1  }
0xa3: {  	[sflag:s23] =	ssyncset.done $0x0  }
0xa4: {  	s25 =	simm.s32 $0x1B8E;
	s24 =	sld [smem:$0x3FFE];
	[sflag:s23] =	ssyncadd.s32 $0xFFFFFFFF  }
0xa5: {  	s26 =	simm.s32 $execute0_lowered;
	[smem:$0x3FD2] =	sst s25  }
0xa6: {  	s5 =	sshll.u32 s26, $0x1;
	_ =	strace $0x80000046;
	[dreg:$0x1] =	wrdreg $0xFFFFFFFF  }
0xa7: {  	s28 =	simm.s32 $_size_execute0_lowered;
	s3 =	sadd.s32 s3, s5;
	[dreg:$0x0] =	wrdreg $0x0  }
0xa8: {  	s5 =	sshll.u32 s28, $0x1;
	[dreg:$0x2] =	wrdreg s3  }
0xa9: {  	[dreg:$0x3] =	wrdreg s5  }
0xaa: {  	[dreg:$0x4] =	wrdreg $0xC0  }
0xab: {  	_ =	task [dreg:s7], $0x5FFFF  }
0xac: {  	[dreg:$0x1] =	wrdreg $0xFFFFFFFF  }
0xad: {  	[dreg:$0x0] =	wrdreg $0x60  }
0xae: {  	[dreg:$0x2] =	wrdreg s24  }
0xaf: {  	[dreg:$0x3] =	wrdreg s2  }
0xb0: {  	[dreg:$0x4] =	wrdreg $0x9  }
0xb1: {  	_ =	task.clear_ibuf [dreg:s7], $0x5FFFF;
	_ =	strace $0x90000046  }
0xb2: {  	s29 =	simm.s32 $0x9;
	_ =	strace $0x80000048  }
0xb3: {  	_ =	swait.ge [sflag:s29], $0x1  }
0xb4: {  	[sflag:s29] =	ssyncadd.s32 $0xFFFFFFFF  }
0xb5: {  	_ =	strace $0x90000048  }
0xb6: {  	_ =	sfence  }
0xb7: {  	s30 =	sld [smem:$0x0];
	_ =	sdelay $0x2  }
0xb8: {  	s31 =	sshll.u32 s1, $0xD;
	s1 =	sshrl.u32 s1, $0x2  }
0xb9: {  	s3 =	sand.u32 $0x4000, s31;
	s1 =	sadd.s32 s1, s30  }
0xba: {  	s0 =	sor.u32 s3, s0;
	s1 =	sshll.u32 s1, $0x11  }
0xbb: {  	s0 =	sor.u32 s1, s0  }
0xbc: {  	s0 =	sadd.s32 $0x8F2B, s0  }
0xbd: {  	[sflag:s0] =	ssyncadd.remote.s32 $0x1  }
0xbe: {  	_ =	sfence.sel $0xFFFF  }
0xbf: {  	[dreg:$0x0] =	wrdreg $0xFFFFFFFF;
	(pc) =	sbr.abs _section_cstart, $3  }
0xc0: {  	[dreg:$0x1] =	wrdreg $0xFFFFFFFF  }
0xc1: {  	_ =	task.clear_ibuf [dreg:s7], $0x2FFFF;
	_ =	strace $0x9FFFFFFF  }
0xc2: {  	(tm) =	ssettm $0x7FFFFFFF  }
0xc3: {  	_ =	shalt  }
tec
execute0_lowered:
.L_overlay_start_1:
0x0: {  	(tag) =	ssettag $0x1  }
0x1: {  	s5 =	rddreg [dreg:$0x0]  }
0x2: {  	s0 =	srdreg.scid;
	s1 =	rddreg [dreg:$0x1];
	s3 =	simm.s32 $0x0  }
0x3: {  	s4 =	stileid.u32;
	s8 =	simm.s32 $0x1;
	s9 =	simm.s32 $0x800  }
.Ltmp0:
0x4: {  	s10 =	simm.s32 $0x3;
	s2 =	sand.u32 $0x1, s0;
	(pc) =	sbr.rel .LBB2_1-.Ltmp0, $4  }
0x5: {  	s11 =	simm.s32 $0x2;
	s12 =	simm.s32 $0xA800;
	s6 =	ssub.s32 $0x2, s2  }
0x6: {  	s13 =	simm.s32 $0x0;
	s0 =	rddreg [dreg:$0x2];
	s7 =	sshrl.u32 s6, $0x1  }
0x7: {  	[smem:$0x7FF] =	sst s3;
	s5 =	sadd.s32 $0x400, s5;
	s7 =	ssub.s32 s6, s7  }
0x8: {  	v0 =	vimm.s32 $0x0;
	v1 =	vlaneseq.u32;
	v2 =	vimm.s32 $0x1;
	_ =	strace $0x80000047;
	s6 =	sshll.u32 s4, $0x1;
	s7 =	smax.u32 s7, $0x1  }
.LBB2_21:
0x9: {  	s13 =	sadd.s32 $0x1, s13  }
0xa: {  	p0 =	sne.s32 s13, s7  }
.Ltmp1:
0xb: {  	_ = 	snop;
	(pc) =	sbr.rel @!p0 .LBB2_22-.Ltmp1, $1  }
0xc: {  	_ =	sdelay $0x3  }
.LBB2_1:
0xd: {  	s14 =	simm.s32 $0x0  }
.LBB2_2:
0xe: {  	p0 =	sne.s32 s14, $0x27FC0  }
.Ltmp2:
0xf: {  	_ = 	snop;
	(pc) =	sbr.rel @p0 .LBB2_2-.Ltmp2, $4  }
0x10: {  	_ = 	snop  }
0x11: {  	s15 =	sshra.s32 s14, $0x2  }
0x12: {  	[tilespmem:s15+$0x800] =	vst v0  }
0x13: {  	s14 =	sadd.s32 $0x40, s14;
	[tilespmem:s15+$0xA800] =	vst v0  }
.Ltmp3:
0x14: {  	(pc) =	sbr.rel .LBB2_4-.Ltmp3, $2  }
0x15: {  	_ =	sdelay $0x2  }
0x16: {  	s14 =	simm.s32 $0x0  }
.LBB2_20:
0x17: {  	s14 =	sadd.s32 $0x1, s14  }
0x18: {  	p0 =	sne.s32 s14, $0x16  }
.Ltmp4:
0x19: {  	_ = 	snop;
	(pc) =	sbr.rel @!p0 .LBB2_21-.Ltmp4, $1  }
0x1a: {  	_ =	sdelay $0x3  }
.LBB2_4:
0x1b: {  	s15 =	sshll.u32 s14, $0x6  }
0x1c: {  	s16 =	sor.u32 s15, s6  }
0x1d: {  	s15 =	sor.u32 s2, s16  }
0x1e: {  	s18 =	sadd.s32 $0xFFFFFFC0, s15  }
0x1f: {  	p0 =	sgt.u32 s18, $0x4E1  }
.Ltmp5:
0x20: {  	_ = 	snop;
	(pc) =	sbr.rel @p0 .LBB2_8-.Ltmp5, $1  }
0x21: {  	_ =	sdelay $0x3  }
0x22: {  	s17 =	smul.u32 $0x47AF, s18;
	_ =	sdelay $0x1  }
0x23: {  	s17 =	sshrl.u32 s17, $0x10  }
0x24: {  	s19 =	ssub.s32 s18, s17  }
0x25: {  	s19 =	sand.u32 $0xFFFE, s19  }
0x26: {  	s19 =	sshrl.u32 s19, $0x1  }
0x27: {  	s17 =	sadd.s32 s17, s19  }
0x28: {  	s17 =	sand.u32 $0xFFF0, s17  }
0x29: {  	_ =	swait.ge [sflag:s8], $0xA000;
	s17 =	sshrl.u32 s17, $0x4  }
0x2a: {  	[sflag:s8] =	ssyncset.done $0x0;
	s28 =	smul.u32 $0x19, s17  }
0x2b: {  	[sflag:s8] =	ssyncadd.s32 $0xFFFF6000;
	s17 =	simm.s32 $0x0  }
0x2c: {  	v5 =	vld [tilespmem:s17+$0x0];
	s29 =	ssub.s32 s18, s28  }
0x2d: {  	s18 =	smul.u32 $0x28, s29;
	_ =	sdelay $0x1  }
0x2e: {  	s18 =	sand.u32 $0xFFF8, s18  }
0x2f: {  	v4 =	vmov s18;
	s18 =	sadd.s32 $0x28, s18  }
0x30: {  	s30 =	sand.u32 $0x1C00, s17;
	s31 =	sand.u32 $0x70, s17;
	v7 =	vshll.u32 v5, $0x7;
	v3 =	vmov s18;
	v6 =	vsub.s32 v5, v4  }
0x31: {  	vm0 =	vge.s32 v5, v4;
	v7 =	vand.u32 $0x380, v7;
	s18 =	sor.u32 s30, s31;
	v6 =	vshll.u32 v6, $0xA  }
0x32: {  	vm1 =	vlt.s32 v5, v3;
	v5 =	vand.u32 $0xFFFFE000, v6;
	v6 =	vor.u32 s18, v7  }
0x33: {  	vm0 =	vmand vm0, vm1;
	v5 =	vor.u32 v5, v6  }
0x34: {  	v5 =	vor.u32 v1, v5;
	_ =	sdelay $0x4  }
0x35: {  	s19 =	simm.s32 $0x10;
	[tilespmem:v5+s9+$0x0] =	vst.idx.msk vm0, v0  }
0x36: {  	s20 =	simm.s32 $0x100;
	s18 =	simm.s32 $0x80;
	v5 =	vld [tilespmem:s19+$0x0]  }
.LBB2_6:
0x37: {  	p0 =	sne.s32 s20, $0x1F80;
	_ =	sdelay $0x2  }
0x38: {  	s17 =	sadd.s32 $0x10, s17  }
0x39: {  	s21 =	sand.u32 $0x1C00, s18;
	s18 =	smov.u32 s20;
	s22 =	sand.u32 $0x70, s17;
	v6 =	vsub.s32 v5, v4;
	v7 =	vshll.u32 v5, $0x7  }
0x3a: {  	s21 =	sor.u32 s21, s22;
	vm0 =	vge.s32 v5, v4;
	v6 =	vshll.u32 v6, $0xA;
	v7 =	vand.u32 $0x380, v7  }
0x3b: {  	vm1 =	vlt.s32 v5, v3;
	v5 =	vand.u32 $0xFFFFE000, v6;
	v6 =	vor.u32 s21, v7  }
0x3c: {  	vm0 =	vmand vm0, vm1;
	v5 =	vor.u32 v5, v6  }
0x3d: {  	v5 =	vor.u32 v1, v5;
	_ =	sdelay $0x1  }
.Ltmp6:
0x3e: {  	(pc) =	sbr.rel @p0 .LBB2_6-.Ltmp6, $3  }
0x3f: {  	_ =	sdelay $0x1  }
0x40: {  	s19 =	sadd.s32 $0x10, s19;
	[tilespmem:v5+s9+$0x0] =	vst.idx.msk vm0, v0  }
0x41: {  	s20 =	sadd.s32 $0x80, s20;
	v5 =	vld [tilespmem:s19+$0x0]  }
0x42: {  	_ =	sdelay $0x2  }
0x43: {  	s17 =	sadd.s32 $0x10, s17  }
0x44: {  	s18 =	sand.u32 $0x1C00, s18;
	s17 =	sand.u32 $0x70, s17;
	v6 =	vsub.s32 v5, v4;
	v7 =	vshll.u32 v5, $0x7  }
0x45: {  	s17 =	sor.u32 s18, s17;
	vm0 =	vge.s32 v5, v4;
	v61 =	vshll.u32 v6, $0xA;
	v62 =	vand.u32 $0x380, v7  }
0x46: {  	vm1 =	vlt.s32 v5, v3;
	v3 =	vand.u32 $0xFFFFE000, v61;
	v63 =	vor.u32 s17, v62  }
0x47: {  	vm0 =	vmand vm0, vm1;
	v3 =	vor.u32 v3, v63  }
0x48: {  	v3 =	vor.u32 v1, v3;
	_ =	sdelay $0x4  }
0x49: {  	[tilespmem:v3+s9+$0x0] =	vst.idx.msk vm0, v0  }
.LBB2_8:
0x4a: {  	p0 =	sgt.u32 s16, $0x4E1  }
.Ltmp7:
0x4b: {  	_ = 	snop;
	(pc) =	sbr.rel @p0 .LBB2_12-.Ltmp7, $1  }
0x4c: {  	_ =	sdelay $0x3  }
0x4d: {  	s16 =	smul.u32 $0x47AF, s15;
	_ =	sdelay $0x1  }
0x4e: {  	s16 =	sshrl.u32 s16, $0x10  }
0x4f: {  	s17 =	ssub.s32 s15, s16  }
0x50: {  	s17 =	sand.u32 $0xFFFE, s17  }
0x51: {  	s17 =	sshrl.u32 s17, $0x1  }
0x52: {  	s16 =	sadd.s32 s16, s17  }
0x53: {  	s17 =	sshll.u32 s16, $0x3  }
0x54: {  	s17 =	sand.u32 $0xFF80, s17  }
0x55: {  	s18 =	sand.u32 $0xFFF0, s16;
	s16 =	simm.s32 $0x0;
	s17 =	sadd.s32 s17, s5  }
0x56: {  	[tilespmem:s16], [sflag:$0x3] =	stream.linear.gather [hbm4b:s17+s16], $0x400, $0x38;
	[tilespmem:$0x14800] =	vst v63  }
0x57: {  	s29 =	sshrl.u32 s18, $0x4;
	_ =	swait.ge [sflag:s10], $0x400  }
0x58: {  	s17 =	smul.u32 $0x19, s29;
	[sflag:s10] =	ssyncset.done $0x0  }
0x59: {  	[sflag:s10] =	ssyncadd.s32 $0xFFFFFC00  }
0x5a: {  	s17 =	ssub.s32 s15, s17;
	v5 =	vld [tilespmem:s16+$0x0]  }
0x5b: {  	s17 =	smul.u32 $0x28, s17;
	_ =	sdelay $0x1  }
0x5c: {  	s17 =	sand.u32 $0xFFF8, s17  }
0x5d: {  	v4 =	vmov s17;
	s17 =	sadd.s32 $0x28, s17  }
0x5e: {  	s30 =	sand.u32 $0x1C00, s16;
	s31 =	sand.u32 $0x70, s16;
	v3 =	vmov s17;
	v6 =	vsub.s32 v5, v4;
	v7 =	vshll.u32 v5, $0x7  }
0x5f: {  	s17 =	sor.u32 s30, s31;
	vm0 =	vge.s32 v5, v4;
	v6 =	vshll.u32 v6, $0xA;
	v7 =	vand.u32 $0x380, v7  }
0x60: {  	vm1 =	vlt.s32 v5, v3;
	v5 =	vand.u32 $0xFFFFE000, v6;
	v6 =	vor.u32 s17, v7  }
0x61: {  	vm0 =	vmand vm0, vm1;
	v5 =	vor.u32 v5, v6  }
0x62: {  	v5 =	vor.u32 v1, v5;
	_ =	sdelay $0x4  }
0x63: {  	s18 =	simm.s32 $0x10;
	[tilespmem:v5+s9+$0x0] =	vst.idx.msk vm0, v2  }
0x64: {  	s19 =	simm.s32 $0x100;
	s17 =	simm.s32 $0x80;
	v5 =	vld [tilespmem:s18+$0x0]  }
.LBB2_10:
0x65: {  	p0 =	sne.s32 s19, $0x1F80;
	_ =	sdelay $0x2  }
0x66: {  	s16 =	sadd.s32 $0x10, s16  }
0x67: {  	s20 =	sand.u32 $0x1C00, s17;
	s17 =	smov.u32 s19;
	s21 =	sand.u32 $0x70, s16;
	v6 =	vsub.s32 v5, v4;
	v7 =	vshll.u32 v5, $0x7  }
0x68: {  	s20 =	sor.u32 s20, s21;
	vm0 =	vge.s32 v5, v4;
	v6 =	vshll.u32 v6, $0xA;
	v7 =	vand.u32 $0x380, v7  }
0x69: {  	vm1 =	vlt.s32 v5, v3;
	v5 =	vand.u32 $0xFFFFE000, v6;
	v6 =	vor.u32 s20, v7  }
0x6a: {  	vm0 =	vmand vm0, vm1;
	v5 =	vor.u32 v5, v6  }
0x6b: {  	v5 =	vor.u32 v1, v5;
	_ =	sdelay $0x1  }
.Ltmp8:
0x6c: {  	(pc) =	sbr.rel @p0 .LBB2_10-.Ltmp8, $3  }
0x6d: {  	_ =	sdelay $0x1  }
0x6e: {  	s18 =	sadd.s32 $0x10, s18;
	[tilespmem:v5+s9+$0x0] =	vst.idx.msk vm0, v2  }
0x6f: {  	s19 =	sadd.s32 $0x80, s19;
	v5 =	vld [tilespmem:s18+$0x0]  }
0x70: {  	_ =	sdelay $0x2  }
0x71: {  	s16 =	sadd.s32 $0x10, s16  }
0x72: {  	s17 =	sand.u32 $0x1C00, s17;
	s16 =	sand.u32 $0x70, s16;
	v6 =	vsub.s32 v5, v4;
	v7 =	vshll.u32 v5, $0x7  }
0x73: {  	s16 =	sor.u32 s17, s16;
	vm0 =	vge.s32 v5, v4;
	v61 =	vshll.u32 v6, $0xA;
	v62 =	vand.u32 $0x380, v7  }
0x74: {  	vm1 =	vlt.s32 v5, v3;
	v3 =	vand.u32 $0xFFFFE000, v61;
	v63 =	vor.u32 s16, v62  }
0x75: {  	vm0 =	vmand vm0, vm1;
	v3 =	vor.u32 v3, v63  }
0x76: {  	v3 =	vor.u32 v1, v3;
	_ =	sdelay $0x2  }
0x77: {  	s31 =	smul.u32 $0x1400, s15;
	_ =	sdelay $0x1  }
0x78: {  	s16 =	sadd.s32 s1, s31;
	[tilespmem:v3+s9+$0x0] =	vst.idx.msk vm0, v2  }
0x79: {  	[hbm4b:s16+s3] =	stream.linear.scatter [tilespmem:s9], [sflag:$0x1], $0xA000, $0x38;
	[tilespmem:$0x14800] =	vst v63  }
.LBB2_12:
0x7a: {  	s16 =	sadd.s32 $0xFFFFFFE0, s15  }
0x7b: {  	p0 =	sgt.u32 s16, $0x4E1  }
.Ltmp9:
0x7c: {  	_ = 	snop;
	(pc) =	sbr.rel @p0 .LBB2_16-.Ltmp9, $1  }
0x7d: {  	_ =	sdelay $0x3  }
0x7e: {  	s17 =	smul.u32 $0x47AF, s16;
	_ =	sdelay $0x1  }
0x7f: {  	s17 =	sshrl.u32 s17, $0x10  }
0x80: {  	s18 =	ssub.s32 s16, s17  }
0x81: {  	s18 =	sand.u32 $0xFFFE, s18  }
0x82: {  	s18 =	sshrl.u32 s18, $0x1  }
0x83: {  	s17 =	sadd.s32 s17, s18  }
0x84: {  	_ =	swait.ge [sflag:s11], $0xA000;
	s17 =	sand.u32 $0xFFF0, s17  }
0x85: {  	[sflag:s11] =	ssyncset.done $0x0;
	s17 =	sshrl.u32 s17, $0x4  }
0x86: {  	s26 =	simm.s32 $0x400;
	[sflag:s11] =	ssyncadd.s32 $0xFFFF6000;
	s17 =	smul.u32 $0x19, s17  }
0x87: {  	v5 =	vld [tilespmem:s26+$0x0]  }
0x88: {  	s28 =	ssub.s32 s16, s17  }
0x89: {  	s16 =	smul.u32 $0x28, s28;
	_ =	sdelay $0x1  }
0x8a: {  	s16 =	sand.u32 $0xFFF8, s16  }
0x8b: {  	v7 =	vshll.u32 v5, $0x7;
	v4 =	vmov s16;
	s29 =	sadd.s32 $0x28, s16;
	s16 =	simm.s32 $0x0  }
0x8c: {  	v7 =	vand.u32 $0x380, v7;
	v6 =	vsub.s32 v5, v4;
	s30 =	sand.u32 $0x1C00, s16;
	s31 =	sand.u32 $0x70, s16  }
0x8d: {  	v3 =	vmov s29;
	vm0 =	vge.s32 v5, v4;
	v6 =	vshll.u32 v6, $0xA;
	s17 =	sor.u32 s30, s31  }
0x8e: {  	vm1 =	vlt.s32 v5, v3;
	v5 =	vand.u32 $0xFFFFE000, v6;
	v6 =	vor.u32 s17, v7  }
0x8f: {  	vm0 =	vmand vm0, vm1;
	v5 =	vor.u32 v5, v6  }
0x90: {  	v5 =	vor.u32 v1, v5;
	_ =	sdelay $0x4  }
0x91: {  	s18 =	simm.s32 $0x410;
	[tilespmem:v5+s12+$0x0] =	vst.idx.msk vm0, v0  }
0x92: {  	s19 =	simm.s32 $0x100;
	s17 =	simm.s32 $0x80;
	v5 =	vld [tilespmem:s18+$0x0]  }
.LBB2_14:
0x93: {  	p0 =	sne.s32 s19, $0x1F80;
	_ =	sdelay $0x2  }
0x94: {  	s16 =	sadd.s32 $0x10, s16  }
0x95: {  	s20 =	sand.u32 $0x1C00, s17;
	s17 =	smov.u32 s19;
	s21 =	sand.u32 $0x70, s16;
	v6 =	vsub.s32 v5, v4;
	v7 =	vshll.u32 v5, $0x7  }
0x96: {  	s20 =	sor.u32 s20, s21;
	vm0 =	vge.s32 v5, v4;
	v6 =	vshll.u32 v6, $0xA;
	v7 =	vand.u32 $0x380, v7  }
0x97: {  	vm1 =	vlt.s32 v5, v3;
	v5 =	vand.u32 $0xFFFFE000, v6;
	v6 =	vor.u32 s20, v7  }
0x98: {  	vm0 =	vmand vm0, vm1;
	v5 =	vor.u32 v5, v6  }
0x99: {  	v5 =	vor.u32 v1, v5;
	_ =	sdelay $0x1  }
.Ltmp10:
0x9a: {  	(pc) =	sbr.rel @p0 .LBB2_14-.Ltmp10, $3  }
0x9b: {  	_ =	sdelay $0x1  }
0x9c: {  	s18 =	sadd.s32 $0x10, s18;
	[tilespmem:v5+s12+$0x0] =	vst.idx.msk vm0, v0  }
0x9d: {  	s19 =	sadd.s32 $0x80, s19;
	v5 =	vld [tilespmem:s18+$0x0]  }
0x9e: {  	_ =	sdelay $0x2  }
0x9f: {  	s16 =	sadd.s32 $0x10, s16  }
0xa0: {  	s17 =	sand.u32 $0x1C00, s17;
	s16 =	sand.u32 $0x70, s16;
	v6 =	vsub.s32 v5, v4;
	v7 =	vshll.u32 v5, $0x7  }
0xa1: {  	s16 =	sor.u32 s17, s16;
	vm0 =	vge.s32 v5, v4;
	v61 =	vshll.u32 v6, $0xA;
	v62 =	vand.u32 $0x380, v7  }
0xa2: {  	vm1 =	vlt.s32 v5, v3;
	v3 =	vand.u32 $0xFFFFE000, v61;
	v63 =	vor.u32 s16, v62  }
0xa3: {  	vm0 =	vmand vm0, vm1;
	v3 =	vor.u32 v3, v63  }
0xa4: {  	v3 =	vor.u32 v1, v3;
	_ =	sdelay $0x4  }
0xa5: {  	[tilespmem:v3+s12+$0x0] =	vst.idx.msk vm0, v0  }
.LBB2_16:
0xa6: {  	s15 =	sor.u32 $0x20, s15  }
0xa7: {  	p0 =	sgt.u32 s15, $0x4E1  }
.Ltmp11:
0xa8: {  	_ = 	snop;
	(pc) =	sbr.rel @p0 .LBB2_20-.Ltmp11, $1  }
0xa9: {  	_ =	sdelay $0x3  }
0xaa: {  	s16 =	smul.u32 $0x47AF, s15;
	_ =	sdelay $0x1  }
0xab: {  	s16 =	sshrl.u32 s16, $0x10  }
0xac: {  	s17 =	ssub.s32 s15, s16  }
0xad: {  	s17 =	sand.u32 $0xFFFE, s17  }
0xae: {  	s17 =	sshrl.u32 s17, $0x1  }
0xaf: {  	s16 =	sadd.s32 s16, s17  }
0xb0: {  	s17 =	sshll.u32 s16, $0x3  }
0xb1: {  	s19 =	simm.s32 $0x400;
	s28 =	sand.u32 $0xFF80, s17  }
0xb2: {  	s18 =	sand.u32 $0xFFF0, s16;
	s16 =	simm.s32 $0x0;
	s17 =	sadd.s32 s28, s5  }
0xb3: {  	[tilespmem:s19], [sflag:$0x3] =	stream.linear.gather [hbm4b:s17+s16], $0x400, $0x38;
	[tilespmem:$0x14800] =	vst v63  }
0xb4: {  	s29 =	sshrl.u32 s18, $0x4;
	_ =	swait.ge [sflag:s10], $0x400  }
0xb5: {  	s17 =	smul.u32 $0x19, s29;
	[sflag:s10] =	ssyncset.done $0x0  }
0xb6: {  	[sflag:s10] =	ssyncadd.s32 $0xFFFFFC00  }
0xb7: {  	s17 =	ssub.s32 s15, s17;
	v5 =	vld [tilespmem:s19+$0x0]  }
0xb8: {  	s17 =	smul.u32 $0x28, s17;
	_ =	sdelay $0x1  }
0xb9: {  	s17 =	sand.u32 $0xFFF8, s17  }
0xba: {  	v4 =	vmov s17;
	s17 =	sadd.s32 $0x28, s17  }
0xbb: {  	s30 =	sand.u32 $0x1C00, s16;
	s31 =	sand.u32 $0x70, s16;
	v3 =	vmov s17;
	v6 =	vsub.s32 v5, v4;
	v7 =	vshll.u32 v5, $0x7  }
0xbc: {  	s17 =	sor.u32 s30, s31;
	vm0 =	vge.s32 v5, v4;
	v6 =	vshll.u32 v6, $0xA;
	v7 =	vand.u32 $0x380, v7  }
0xbd: {  	vm1 =	vlt.s32 v5, v3;
	v5 =	vand.u32 $0xFFFFE000, v6;
	v6 =	vor.u32 s17, v7  }
0xbe: {  	vm0 =	vmand vm0, vm1;
	v5 =	vor.u32 v5, v6  }
0xbf: {  	v5 =	vor.u32 v1, v5;
	_ =	sdelay $0x4  }
0xc0: {  	s18 =	simm.s32 $0x410;
	[tilespmem:v5+s12+$0x0] =	vst.idx.msk vm0, v2  }
0xc1: {  	s19 =	simm.s32 $0x100;
	s17 =	simm.s32 $0x80;
	v5 =	vld [tilespmem:s18+$0x0]  }
.LBB2_18:
0xc2: {  	p0 =	sne.s32 s19, $0x1F80;
	_ =	sdelay $0x2  }
0xc3: {  	s16 =	sadd.s32 $0x10, s16  }
0xc4: {  	s20 =	sand.u32 $0x1C00, s17;
	s17 =	smov.u32 s19;
	s21 =	sand.u32 $0x70, s16;
	v6 =	vsub.s32 v5, v4;
	v7 =	vshll.u32 v5, $0x7  }
0xc5: {  	s20 =	sor.u32 s20, s21;
	vm0 =	vge.s32 v5, v4;
	v6 =	vshll.u32 v6, $0xA;
	v7 =	vand.u32 $0x380, v7  }
0xc6: {  	vm1 =	vlt.s32 v5, v3;
	v5 =	vand.u32 $0xFFFFE000, v6;
	v6 =	vor.u32 s20, v7  }
0xc7: {  	vm0 =	vmand vm0, vm1;
	v5 =	vor.u32 v5, v6  }
0xc8: {  	v5 =	vor.u32 v1, v5;
	_ =	sdelay $0x1  }
.Ltmp12:
0xc9: {  	(pc) =	sbr.rel @p0 .LBB2_18-.Ltmp12, $3  }
0xca: {  	_ =	sdelay $0x1  }
0xcb: {  	s18 =	sadd.s32 $0x10, s18;
	[tilespmem:v5+s12+$0x0] =	vst.idx.msk vm0, v2  }
0xcc: {  	s19 =	sadd.s32 $0x80, s19;
	v5 =	vld [tilespmem:s18+$0x0]  }
0xcd: {  	_ =	sdelay $0x2  }
0xce: {  	s16 =	sadd.s32 $0x10, s16  }
0xcf: {  	s17 =	sand.u32 $0x1C00, s17;
	s16 =	sand.u32 $0x70, s16;
	v6 =	vsub.s32 v5, v4;
	v7 =	vshll.u32 v5, $0x7  }
0xd0: {  	s16 =	sor.u32 s17, s16;
	vm0 =	vge.s32 v5, v4;
	v61 =	vshll.u32 v6, $0xA;
	v62 =	vand.u32 $0x380, v7  }
0xd1: {  	vm1 =	vlt.s32 v5, v3;
	v3 =	vand.u32 $0xFFFFE000, v61;
	v63 =	vor.u32 s16, v62  }
0xd2: {  	vm0 =	vmand vm0, vm1;
	v3 =	vor.u32 v3, v63  }
0xd3: {  	v3 =	vor.u32 v1, v3;
	_ =	sdelay $0x1  }
.Ltmp13:
0xd4: {  	_ = 	snop;
	(pc) =	sbr.rel .LBB2_20-.Ltmp13, $3  }
0xd5: {  	s15 =	smul.u32 $0x1400, s15;
	_ =	sdelay $0x1  }
0xd6: {  	s15 =	sadd.s32 s1, s15;
	[tilespmem:v3+s12+$0x0] =	vst.idx.msk vm0, v2  }
0xd7: {  	[hbm4b:s15+s3] =	stream.linear.scatter [tilespmem:s12], [sflag:$0x2], $0xA000, $0x38;
	[tilespmem:$0x14800] =	vst v63  }
.LBB2_22:
0xd8: {  	_ =	sfence.sel $0x180000  }
0xd9: {  	[bflag:$0x0] =	sbarrier.arrive $0xFFFF  }
0xda: {  	p0 =	sne.s32 s4, $0x0;
	_ =	strace $0x90000047  }
0xdb: {  	s0 =	sadd.s32 @!p0 $0x100000, s0;
	[bflag:$0x2] =	sbarrier.arrive $0xFFFF  }
0xdc: {  	[sflag:s0] =	ssyncadd.tile.s32 @!p0 $0x1;
	_ =	shalt  }
.Lfunc_end2:
_tile_overlayer_lowered:
.L_overlay_start_2:
0xdd: {  	(tag) =	ssettag $0x2  }
0xde: {  	s0 =	rddreg [dreg:$0x0];
	s2 =	stileid.u32  }
0xdf: {  	s1 =	rddreg [dreg:$0x1];
	p0 =	sne.s32 s2, $0x0  }
0xe0: {  	s3 =	rddreg [dreg:$0x2];
	[bflag:$0x3] =	sbarrier.arrive $0xFFFF;
	s2 =	simm.s32 @!p0 $0x1C03  }
0xe1: {  	[timem:s3], [sflag:s2] =	dma.local @!p0 [hbm:s0], s1  }
0xe2: {  	s0 =	simm.s32 @!p0 $0x3  }
0xe3: {  	_ =	swait.ge @!p0 [sflag:s0], s1  }
0xe4: {  	s1 =	ssub.s32 @!p0 $0x0, s1;
	[sflag:s0] =	ssyncset.done @!p0 $0x0  }
0xe5: {  	[sflag:s0] =	ssyncadd.s32 @!p0 s1  }
0xe6: {  	[bflag:$0x3] =	sbarrier.arrive $0xFFFF  }
0xe7: {  	_ =	shalt  }

</sc_bundles>
